<compile_context>
chip_gen: v7x
topology: tpu7x:2x2x1
jax: 0.10.2.dev20260603
libtpu: 0.0.44.dev20260713+nightly
codegen_flags: <defaults>
</compile_context>

<pallas_src>
import functools

import jax
import jax.numpy as jnp
from jax import lax
from jax.experimental import pallas as pl
from jax.experimental.pallas import tpu as pltpu
from jax.experimental.pallas import tpu_sc as plsc

B = 4096
NF = 26
V = 100001
D = 32
BNF = B * NF
NC, NS = 2, 16
NW = NC * NS
BPW = BNF // NW
CHUNK = 128
NCH = BPW // CHUNK

QPF = 25088
XCH = 12544
NXC = QPF // XCH
EPR = NF * QPF
NDR = (NF * V + CHUNK - 1) // CHUNK + 1

BLK = 512
HID0, HID1, HID2 = 1024, 512, 256
LW = NF * CHUNK


def _repack_body(i0_ref, i1_ref, i2_ref, i3_ref, o_ref):
    ei = lax.broadcasted_iota(jnp.int32, (CHUNK, CHUNK), 0)
    ej = lax.broadcasted_iota(jnp.int32, (CHUNK, CHUNK), 1)
    eye = (ei == ej).astype(jnp.bfloat16)
    ins = jnp.concatenate(
        [r[...].astype(jnp.bfloat16) for r in (i0_ref, i1_ref, i2_ref, i3_ref)],
        axis=0)
    o_ref[...] = lax.dot_general(ins, eye, (((0,), (0,)), ((), ())),
                                 preferred_element_type=jnp.float32)


_repack = pl.pallas_call(
    _repack_body,
    grid=(NF, NXC),
    in_specs=[
        pl.BlockSpec((D, XCH), lambda f, c: (f, 0 * NXC + c)),
        pl.BlockSpec((D, XCH), lambda f, c: (f, 1 * NXC + c)),
        pl.BlockSpec((D, XCH), lambda f, c: (f, 2 * NXC + c)),
        pl.BlockSpec((D, XCH), lambda f, c: (f, 3 * NXC + c)),
    ],
    out_specs=pl.BlockSpec((XCH, CHUNK), lambda f, c: (f * NXC + c, 0)),
    out_shape=jax.ShapeDtypeStruct((EPR, CHUNK), jnp.float32),
)


@functools.cache
def _build_sc_gather():
    mesh = plsc.VectorSubcoreMesh(core_axis_name="c", subcore_axis_name="s")

    @functools.partial(
        pl.kernel,
        out_type=(
            jax.ShapeDtypeStruct((BNF, CHUNK), jnp.float32),
            jax.ShapeDtypeStruct((BNF, CHUNK), jnp.float32),
        ),
        mesh=mesh,
        scratch_types=[
            pltpu.VMEM((NCH, CHUNK), jnp.int32),
            pltpu.VMEM((NCH, CHUNK), jnp.int32),
            pltpu.VMEM((CHUNK, CHUNK), jnp.float32),
            pltpu.VMEM((CHUNK, CHUNK), jnp.float32),
            pltpu.SemaphoreType.DMA,
            pltpu.SemaphoreType.DMA,
        ],
    )
    def _sc_gather(emb_hbm, dense_hbm, idx_hbm, idxd_hbm, oe_hbm, od_hbm,
                   idx_v, idxd_v, qb_v, db_v, sem_e, sem_d):
        wid = lax.axis_index("s") * NC + lax.axis_index("c")
        base = wid * BPW
        pltpu.sync_copy(idx_hbm.at[wid], idx_v)
        pltpu.sync_copy(idxd_hbm.at[wid], idxd_v)

        @pl.loop(0, NCH)
        def _(j):
            off = base + j * CHUNK
            cpe = pltpu.async_copy(emb_hbm.at[idx_v.at[j]], qb_v, sem_e)
            cpd = pltpu.async_copy(dense_hbm.at[idxd_v.at[j]], db_v, sem_d)
            cpe.wait()
            cpd.wait()
            pltpu.sync_copy(qb_v, oe_hbm.at[pl.ds(off, CHUNK)])
            pltpu.sync_copy(db_v, od_hbm.at[pl.ds(off, CHUNK)])

    return _sc_gather


def _mlp_body(hq_ref, dq_ref, xa_ref, xm_ref, exf_ref, m2_ref, fmb_ref,
              w0_ref, b0_ref, w1_ref, b1_ref, w2_ref, b2_ref, w3_ref, b3_ref,
              out_ref):
    exf = exf_ref[...]
    lane = lax.broadcasted_iota(jnp.int32, (BLK, LW), 1) % CHUNK
    a_exp = jnp.dot(xa_ref[...].astype(jnp.float32), exf,
                    preferred_element_type=jnp.float32)
    emask = (lane // D == a_exp.astype(jnp.int32)).astype(jnp.float32)
    hsel = (hq_ref[...] * emask).astype(jnp.bfloat16)
    h0 = jnp.dot(hsel, m2_ref[...], preferred_element_type=jnp.float32)
    m_exp = jnp.dot(xm_ref[...].astype(jnp.float32), exf,
                    preferred_element_type=jnp.float32)
    dmask = (lane == m_exp.astype(jnp.int32)).astype(jnp.float32)
    one = jnp.sum(dq_ref[...] * dmask, axis=1)
    ssq = jnp.sum(h0 * h0, axis=1)
    ki = lax.broadcasted_iota(jnp.int32, (NF * D, D), 0)
    di = lax.broadcasted_iota(jnp.int32, (NF * D, D), 1)
    fold = (ki % D == di).astype(jnp.bfloat16)
    h0b = h0.astype(jnp.bfloat16)
    s = jnp.dot(h0b, fold, preferred_element_type=jnp.float32)
    two = 0.5 * (jnp.sum(s * s, axis=1) - ssq)
    fm = one + two + fmb_ref[...]
    h = h0b
    for w_ref, b_ref in ((w0_ref, b0_ref), (w1_ref, b1_ref), (w2_ref, b2_ref)):
        hf = jnp.dot(h, w_ref[...], preferred_element_type=jnp.float32)
        h = jnp.maximum(hf + b_ref[...][None, :], 0.0).astype(jnp.bfloat16)
    hf = h.astype(jnp.float32)
    deep = jnp.maximum(jnp.sum(hf * w3_ref[...], axis=1) + b3_ref[...], 0.0)
    out_ref[...] = jax.nn.sigmoid(fm + deep)


_mlp = pl.pallas_call(
    _mlp_body,
    grid=(B // BLK,),
    in_specs=[
        pl.BlockSpec((BLK, LW), lambda i: (i, 0)),
        pl.BlockSpec((BLK, LW), lambda i: (i, 0)),
        pl.BlockSpec((BLK, NF), lambda i: (i, 0)),
        pl.BlockSpec((BLK, NF), lambda i: (i, 0)),
        pl.BlockSpec((NF, LW), lambda i: (0, 0)),
        pl.BlockSpec((LW, NF * D), lambda i: (0, 0)),
        pl.BlockSpec((1,), lambda i: (0,)),
        pl.BlockSpec((NF * D, HID0), lambda i: (0, 0)),
        pl.BlockSpec((HID0,), lambda i: (0,)),
        pl.BlockSpec((HID0, HID1), lambda i: (0, 0)),
        pl.BlockSpec((HID1,), lambda i: (0,)),
        pl.BlockSpec((HID1, HID2), lambda i: (0, 0)),
        pl.BlockSpec((HID2,), lambda i: (0,)),
        pl.BlockSpec((1, HID2), lambda i: (0, 0)),
        pl.BlockSpec((1,), lambda i: (0,)),
    ],
    out_specs=pl.BlockSpec((BLK,), lambda i: (i,)),
    out_shape=jax.ShapeDtypeStruct((B,), jnp.float32),
)


def kernel(X, emb_table, dense_table, fm_bias, W0, b0, W1, b1, W2, b2, W3, b3):
    X = X.astype(jnp.int32)
    eq = (jnp.arange(NF, dtype=jnp.int32) * QPF)[None, :] + (X % QPF)
    xa = X // QPF
    idx = X + (jnp.arange(NF, dtype=jnp.int32) * V)[None, :]
    dq = idx // CHUNK
    xm = idx % CHUNK
    embT = emb_table.transpose(0, 2, 1).reshape(NF * D, V)
    ep = _repack(embT, embT, embT, embT)
    dense_lin = jnp.pad(dense_table.reshape(NF * V), (0, NDR * CHUNK - NF * V))
    dense2d = dense_lin.reshape(NDR, CHUNK)
    rows, dvals = _build_sc_gather()(
        ep, dense2d, eq.reshape(NW, NCH, CHUNK), dq.reshape(NW, NCH, CHUNK))
    hq = rows.reshape(B, LW)
    dv = dvals.reshape(B, LW)
    fj = jnp.arange(LW, dtype=jnp.int32)
    exf = (fj[None, :] // CHUNK == jnp.arange(NF, dtype=jnp.int32)[:, None]
           ).astype(jnp.float32)
    mk = jnp.arange(NF * D, dtype=jnp.int32)
    m2 = ((fj[:, None] // CHUNK == mk[None, :] // D)
          & (fj[:, None] % D == mk[None, :] % D)).astype(jnp.bfloat16)
    return _mlp(hq, dv, xa, xm, exf, m2, fm_bias,
                W0.astype(jnp.bfloat16), b0, W1.astype(jnp.bfloat16), b1,
                W2.astype(jnp.bfloat16), b2, W3.reshape(1, HID2), b3)

# --- scband reference (transcript-rebuilt; emitter-appended) ---
"""Pipeline reference for scband-deep-fm-12859132084672 (READ-ONLY COPY).

The authoritative reference and input builder live on the scoring server;
editing this copy changes nothing except your own understanding.
"""

import jax, jax.numpy as jnp
import numpy as np

B = 4096
NF = 26
V = 100001  # feature_size + 1
D = 32
HID = [1024, 512, 256, 1]


def setup_inputs(seed: int = 0) -> dict:
    key = jax.random.key(seed)
    ks = jax.random.split(key, 16)
    X = jax.random.randint(ks[0], (B, NF), 0, 100000, dtype=jnp.int32)
    emb_table = jax.random.normal(ks[1], (NF, V, D), dtype=jnp.float32) * 0.05
    dense_table = jax.random.normal(ks[2], (NF, V, 1), dtype=jnp.float32) * 0.05
    fm_bias = jax.random.normal(ks[3], (1,), dtype=jnp.float32) * 0.05
    dims = [NF * D] + HID
    inp = {"X": X, "emb_table": emb_table, "dense_table": dense_table, "fm_bias": fm_bias}
    for i, (di, do) in enumerate(zip(dims[:-1], dims[1:])):
        inp[f"W{i}"] = jax.random.normal(ks[4 + i], (di, do), dtype=jnp.float32) * (1.0 / np.sqrt(di))
        inp[f"b{i}"] = jnp.zeros((do,), dtype=jnp.float32)
    return inp


def reference(X, emb_table, dense_table, fm_bias, W0, b0, W1, b1, W2, b2, W3, b3):
    X = X.astype(jnp.int32)
    feat_idx = jnp.arange(NF)[None, :]  # (1, NF) broadcast against (B, NF)
    # ---- FM part ----
    # one-order: per-feature scalar weight lookup, summed over features
    dense_vals = dense_table[feat_idx, X, 0]  # (B, NF)
    one_order = jnp.sum(dense_vals, axis=1)  # (B,)
    # embeddings: per-feature embedding lookup
    embeds = emb_table[feat_idx, X, :]  # (B, NF, D)
    # two-order: sum_{i<j} <V_i, V_j> == 0.5 * (||sum_i V_i||^2 - sum_i ||V_i||^2)
    s = jnp.sum(embeds, axis=1)  # (B, D)
    two_order = 0.5 * (jnp.sum(s * s, axis=1) - jnp.sum(embeds * embeds, axis=(1, 2)))  # (B,)
    fm_out = one_order + two_order + fm_bias[0]
    # ---- Deep part ----
    h = embeds.reshape(X.shape[0], NF * D)
    for W, b in ((W0, b0), (W1, b1), (W2, b2), (W3, b3)):
        h = jax.nn.relu(jnp.dot(h, W) + b)
    deep_out = jnp.squeeze(h, axis=-1)  # (B,)
    return jax.nn.sigmoid(fm_out + deep_out)

if __name__ == "__main__":
    import jax
    _d = setup_inputs()
    print(jax.jit(kernel)(*tuple(_d.values())))

</pallas_src>

<mosaic_0001>
#map = affine_map<(d0, d1) -> (0, 0)>
#map1 = affine_map<(d0, d1) -> (0, 0, 0)>
module attributes {stable_mosaic.version = 14 : i64} {
  func.func @_sc_gather(%arg0: i32, %arg1: i32, %arg2: memref<652288x128xf32, #tpu.memory_space<hbm>>, %arg3: memref<20314x128xf32, #tpu.memory_space<hbm>>, %arg4: memref<32x26x128xi32, #tpu.memory_space<hbm>>, %arg5: memref<32x26x128xi32, #tpu.memory_space<hbm>>, %arg6: memref<106496x128xf32, #tpu.memory_space<hbm>>, %arg7: memref<106496x128xf32, #tpu.memory_space<hbm>>, %arg8: memref<26x128xi32, #tpu.memory_space<vmem>>, %arg9: memref<26x128xi32, #tpu.memory_space<vmem>>, %arg10: memref<128x128xf32, #tpu.memory_space<vmem>>, %arg11: memref<128x128xf32, #tpu.memory_space<vmem>>, %arg12: memref<!tpu.dma_semaphore, #tpu.memory_space<semaphore_mem>>, %arg13: memref<!tpu.dma_semaphore, #tpu.memory_space<semaphore_mem>>) attributes {dimension_semantics = [#tpu.dimension_semantics<core_parallel>, #tpu.dimension_semantics<subcore_parallel>], iteration_bounds = array<i64: 2, 16>, scalar_prefetch = 0 : i64, scratch_operands = 6 : i64, tpu.core_type = #tpu.core_type<sc_vector_subcore>, window_params = [{transform_indices = #map}, {transform_indices = #map}, {transform_indices = #map1}, {transform_indices = #map1}, {transform_indices = #map}, {transform_indices = #map}]} {
    %mul3A = arith.constant 2 : i32
    %mul3A_0 = arith.muli %arg1, %mul3A : i32
    %add3A = arith.addi %mul3A_0, %arg0 : i32
    %mul3A_1 = arith.constant 3328 : i32
    %mul3A_2 = arith.muli %add3A, %mul3A_1 : i32
    "tpu.region"() ({
      %run_scoped3A = tpu.sem_alloc : memref<!tpu.dma_semaphore, #tpu.memory_space<semaphore_mem>>
      %dma_start3A = arith.constant 0 : i32
      %dma_start3A_7 = arith.constant 0 : i32
      %dma_start3A_8 = tpu.memref_slice %arg4[%add3A, %dma_start3A, %dma_start3A_7] : memref<32x26x128xi32, #tpu.memory_space<hbm>> -> memref<1x26x128xi32, #tpu.memory_space<hbm>>
      %dma_start3A_9 = tpu.memref_squeeze %dma_start3A_8 : memref<1x26x128xi32, #tpu.memory_space<hbm>> -> memref<26x128xi32, #tpu.memory_space<hbm>>
      %dma_start3A_10 = arith.constant 0 : i32
      %dma_start3A_11 = arith.constant 0 : i32
      %dma_start3A_12 = tpu.memref_slice %arg4[%add3A, %dma_start3A_10, %dma_start3A_11] : memref<32x26x128xi32, #tpu.memory_space<hbm>> -> memref<1x26x128xi32, #tpu.memory_space<hbm>>
      %dma_start3A_13 = tpu.memref_squeeze %dma_start3A_12 : memref<1x26x128xi32, #tpu.memory_space<hbm>> -> memref<26x128xi32, #tpu.memory_space<hbm>>
      tpu.enqueue_dma source(%dma_start3A_13 : memref<26x128xi32, #tpu.memory_space<hbm>>) target(%arg8 : memref<26x128xi32, #tpu.memory_space<vmem>>) target_semaphore(%run_scoped3A : memref<!tpu.dma_semaphore, #tpu.memory_space<semaphore_mem>>)
      %dma_wait3A = arith.constant 0 : i32
      %dma_wait3A_14 = arith.constant 0 : i32
      %dma_wait3A_15 = tpu.memref_slice %arg4[%add3A, %dma_wait3A, %dma_wait3A_14] : memref<32x26x128xi32, #tpu.memory_space<hbm>> -> memref<1x26x128xi32, #tpu.memory_space<hbm>>
      %dma_wait3A_16 = tpu.memref_squeeze %dma_wait3A_15 : memref<1x26x128xi32, #tpu.memory_space<hbm>> -> memref<26x128xi32, #tpu.memory_space<hbm>>
      %dma_wait3A_17 = arith.constant 0 : i32
      %dma_wait3A_18 = arith.constant 0 : i32
      %dma_wait3A_19 = tpu.memref_slice %arg4[%add3A, %dma_wait3A_17, %dma_wait3A_18] : memref<32x26x128xi32, #tpu.memory_space<hbm>> -> memref<1x26x128xi32, #tpu.memory_space<hbm>>
      %dma_wait3A_20 = tpu.memref_squeeze %dma_wait3A_19 : memref<1x26x128xi32, #tpu.memory_space<hbm>> -> memref<26x128xi32, #tpu.memory_space<hbm>>
      tpu.wait_dma2 semaphore(%run_scoped3A : memref<!tpu.dma_semaphore, #tpu.memory_space<semaphore_mem>>) src(%dma_wait3A_20 : memref<26x128xi32, #tpu.memory_space<hbm>>) dst(%arg8 : memref<26x128xi32, #tpu.memory_space<vmem>>)
      tpu.yield
    }) : () -> ()
    "tpu.region"() ({
      %run_scoped3A = tpu.sem_alloc : memref<!tpu.dma_semaphore, #tpu.memory_space<semaphore_mem>>
      %dma_start3A = arith.constant 0 : i32
      %dma_start3A_7 = arith.constant 0 : i32
      %dma_start3A_8 = tpu.memref_slice %arg5[%add3A, %dma_start3A, %dma_start3A_7] : memref<32x26x128xi32, #tpu.memory_space<hbm>> -> memref<1x26x128xi32, #tpu.memory_space<hbm>>
      %dma_start3A_9 = tpu.memref_squeeze %dma_start3A_8 : memref<1x26x128xi32, #tpu.memory_space<hbm>> -> memref<26x128xi32, #tpu.memory_space<hbm>>
      %dma_start3A_10 = arith.constant 0 : i32
      %dma_start3A_11 = arith.constant 0 : i32
      %dma_start3A_12 = tpu.memref_slice %arg5[%add3A, %dma_start3A_10, %dma_start3A_11] : memref<32x26x128xi32, #tpu.memory_space<hbm>> -> memref<1x26x128xi32, #tpu.memory_space<hbm>>
      %dma_start3A_13 = tpu.memref_squeeze %dma_start3A_12 : memref<1x26x128xi32, #tpu.memory_space<hbm>> -> memref<26x128xi32, #tpu.memory_space<hbm>>
      tpu.enqueue_dma source(%dma_start3A_13 : memref<26x128xi32, #tpu.memory_space<hbm>>) target(%arg9 : memref<26x128xi32, #tpu.memory_space<vmem>>) target_semaphore(%run_scoped3A : memref<!tpu.dma_semaphore, #tpu.memory_space<semaphore_mem>>)
      %dma_wait3A = arith.constant 0 : i32
      %dma_wait3A_14 = arith.constant 0 : i32
      %dma_wait3A_15 = tpu.memref_slice %arg5[%add3A, %dma_wait3A, %dma_wait3A_14] : memref<32x26x128xi32, #tpu.memory_space<hbm>> -> memref<1x26x128xi32, #tpu.memory_space<hbm>>
      %dma_wait3A_16 = tpu.memref_squeeze %dma_wait3A_15 : memref<1x26x128xi32, #tpu.memory_space<hbm>> -> memref<26x128xi32, #tpu.memory_space<hbm>>
      %dma_wait3A_17 = arith.constant 0 : i32
      %dma_wait3A_18 = arith.constant 0 : i32
      %dma_wait3A_19 = tpu.memref_slice %arg5[%add3A, %dma_wait3A_17, %dma_wait3A_18] : memref<32x26x128xi32, #tpu.memory_space<hbm>> -> memref<1x26x128xi32, #tpu.memory_space<hbm>>
      %dma_wait3A_20 = tpu.memref_squeeze %dma_wait3A_19 : memref<1x26x128xi32, #tpu.memory_space<hbm>> -> memref<26x128xi32, #tpu.memory_space<hbm>>
      tpu.wait_dma2 semaphore(%run_scoped3A : memref<!tpu.dma_semaphore, #tpu.memory_space<semaphore_mem>>) src(%dma_wait3A_20 : memref<26x128xi32, #tpu.memory_space<hbm>>) dst(%arg9 : memref<26x128xi32, #tpu.memory_space<vmem>>)
      tpu.yield
    }) : () -> ()
    %scan3A = arith.constant 0 : i32
    %scan3A_3 = arith.constant 26 : i32
    %scan3A_4 = arith.addi %scan3A, %scan3A_3 : i32
    %scan3A_5 = arith.constant 1 : i32
    scf.for %scan3A_7 = %scan3A to %scan3A_4 step %scan3A_5  : i32 {
      %mul3A_8 = arith.constant 1 : i32
      %mul3A_9 = arith.muli %scan3A_7, %mul3A_8 : i32
      %add3A_10 = arith.constant 0 : i32
      %add3A_11 = arith.addi %add3A_10, %mul3A_9 : i32
      %mul3A_12 = arith.constant 128 : i32
      %mul3A_13 = arith.muli %add3A_11, %mul3A_12 : i32
      %add3A_14 = arith.addi %mul3A_2, %mul3A_13 : i32
      %dma_start3A = arith.constant 0 : i32
      %dma_start3A_15 = tpu.memref_slice %arg8[%add3A_11, %dma_start3A] : memref<26x128xi32, #tpu.memory_space<vmem>> -> memref<1x128xi32, #tpu.memory_space<vmem>>
      %dma_start3A_16 = tpu.memref_squeeze %dma_start3A_15 : memref<1x128xi32, #tpu.memory_space<vmem>> -> memref<128xi32, #tpu.memory_space<vmem>>
      %dma_start3A_17 = arith.constant 0 : i32
      %dma_start3A_18 = arith.constant 0 : i32
      %dma_start3A_19 = tpu.memref_slice %arg2[%dma_start3A_17, %dma_start3A_18] : memref<652288x128xf32, #tpu.memory_space<hbm>> -> memref<652288x128xf32, #tpu.memory_space<hbm>>
      tpu.enqueue_indirect_dma source(%dma_start3A_19 : memref<652288x128xf32, #tpu.memory_space<hbm>>) target(%arg10 : memref<128x128xf32, #tpu.memory_space<vmem>>) offsets(%dma_start3A_16 : memref<128xi32, #tpu.memory_space<vmem>>) semaphore(%arg12 : memref<!tpu.dma_semaphore, #tpu.memory_space<semaphore_mem>>)
      %dma_start3A_20 = arith.constant 0 : i32
      %dma_start3A_21 = tpu.memref_slice %arg9[%add3A_11, %dma_start3A_20] : memref<26x128xi32, #tpu.memory_space<vmem>> -> memref<1x128xi32, #tpu.memory_space<vmem>>
      %dma_start3A_22 = tpu.memref_squeeze %dma_start3A_21 : memref<1x128xi32, #tpu.memory_space<vmem>> -> memref<128xi32, #tpu.memory_space<vmem>>
      %dma_start3A_23 = arith.constant 0 : i32
      %dma_start3A_24 = arith.constant 0 : i32
      %dma_start3A_25 = tpu.memref_slice %arg3[%dma_start3A_23, %dma_start3A_24] : memref<20314x128xf32, #tpu.memory_space<hbm>> -> memref<20314x128xf32, #tpu.memory_space<hbm>>
      tpu.enqueue_indirect_dma source(%dma_start3A_25 : memref<20314x128xf32, #tpu.memory_space<hbm>>) target(%arg11 : memref<128x128xf32, #tpu.memory_space<vmem>>) offsets(%dma_start3A_22 : memref<128xi32, #tpu.memory_space<vmem>>) semaphore(%arg13 : memref<!tpu.dma_semaphore, #tpu.memory_space<semaphore_mem>>)
      %dma_wait3A = arith.constant 0 : i32
      %dma_wait3A_26 = tpu.memref_slice %arg8[%add3A_11, %dma_wait3A] : memref<26x128xi32, #tpu.memory_space<vmem>> -> memref<1x128xi32, #tpu.memory_space<vmem>>
      %dma_wait3A_27 = tpu.memref_squeeze %dma_wait3A_26 : memref<1x128xi32, #tpu.memory_space<vmem>> -> memref<128xi32, #tpu.memory_space<vmem>>
      %dma_wait3A_28 = arith.constant 0 : i32
      %dma_wait3A_29 = arith.constant 0 : i32
      %dma_wait3A_30 = tpu.memref_slice %arg2[%dma_wait3A_28, %dma_wait3A_29] : memref<652288x128xf32, #tpu.memory_space<hbm>> -> memref<652288x128xf32, #tpu.memory_space<hbm>>
      tpu.wait_indirect_dma semaphore(%arg12 : memref<!tpu.dma_semaphore, #tpu.memory_space<semaphore_mem>>) src(%dma_wait3A_30 : memref<652288x128xf32, #tpu.memory_space<hbm>>) dst(%arg10 : memref<128x128xf32, #tpu.memory_space<vmem>>)
      %dma_wait3A_31 = arith.constant 0 : i32
      %dma_wait3A_32 = tpu.memref_slice %arg9[%add3A_11, %dma_wait3A_31] : memref<26x128xi32, #tpu.memory_space<vmem>> -> memref<1x128xi32, #tpu.memory_space<vmem>>
      %dma_wait3A_33 = tpu.memref_squeeze %dma_wait3A_32 : memref<1x128xi32, #tpu.memory_space<vmem>> -> memref<128xi32, #tpu.memory_space<vmem>>
      %dma_wait3A_34 = arith.constant 0 : i32
      %dma_wait3A_35 = arith.constant 0 : i32
      %dma_wait3A_36 = tpu.memref_slice %arg3[%dma_wait3A_34, %dma_wait3A_35] : memref<20314x128xf32, #tpu.memory_space<hbm>> -> memref<20314x128xf32, #tpu.memory_space<hbm>>
      tpu.wait_indirect_dma semaphore(%arg13 : memref<!tpu.dma_semaphore, #tpu.memory_space<semaphore_mem>>) src(%dma_wait3A_36 : memref<20314x128xf32, #tpu.memory_space<hbm>>) dst(%arg11 : memref<128x128xf32, #tpu.memory_space<vmem>>)
      "tpu.region"() ({
        %run_scoped3A = tpu.sem_alloc : memref<!tpu.dma_semaphore, #tpu.memory_space<semaphore_mem>>
        %dma_start3A_37 = arith.constant 0 : i32
        %dma_start3A_38 = tpu.memref_slice %arg6[%add3A_14, %dma_start3A_37] : memref<106496x128xf32, #tpu.memory_space<hbm>> -> memref<128x128xf32, #tpu.memory_space<hbm>>
        %dma_start3A_39 = arith.constant 0 : i32
        %dma_start3A_40 = tpu.memref_slice %arg6[%add3A_14, %dma_start3A_39] : memref<106496x128xf32, #tpu.memory_space<hbm>> -> memref<128x128xf32, #tpu.memory_space<hbm>>
        tpu.enqueue_dma source(%arg10 : memref<128x128xf32, #tpu.memory_space<vmem>>) target(%dma_start3A_40 : memref<128x128xf32, #tpu.memory_space<hbm>>) target_semaphore(%run_scoped3A : memref<!tpu.dma_semaphore, #tpu.memory_space<semaphore_mem>>)
        %dma_wait3A_41 = arith.constant 0 : i32
        %dma_wait3A_42 = tpu.memref_slice %arg6[%add3A_14, %dma_wait3A_41] : memref<106496x128xf32, #tpu.memory_space<hbm>> -> memref<128x128xf32, #tpu.memory_space<hbm>>
        %dma_wait3A_43 = arith.constant 0 : i32
        %dma_wait3A_44 = tpu.memref_slice %arg6[%add3A_14, %dma_wait3A_43] : memref<106496x128xf32, #tpu.memory_space<hbm>> -> memref<128x128xf32, #tpu.memory_space<hbm>>
        tpu.wait_dma2 semaphore(%run_scoped3A : memref<!tpu.dma_semaphore, #tpu.memory_space<semaphore_mem>>) src(%arg10 : memref<128x128xf32, #tpu.memory_space<vmem>>) dst(%dma_wait3A_44 : memref<128x128xf32, #tpu.memory_space<hbm>>)
        tpu.yield
      }) : () -> ()
      "tpu.region"() ({
        %run_scoped3A = tpu.sem_alloc : memref<!tpu.dma_semaphore, #tpu.memory_space<semaphore_mem>>
        %dma_start3A_37 = arith.constant 0 : i32
        %dma_start3A_38 = tpu.memref_slice %arg7[%add3A_14, %dma_start3A_37] : memref<106496x128xf32, #tpu.memory_space<hbm>> -> memref<128x128xf32, #tpu.memory_space<hbm>>
        %dma_start3A_39 = arith.constant 0 : i32
        %dma_start3A_40 = tpu.memref_slice %arg7[%add3A_14, %dma_start3A_39] : memref<106496x128xf32, #tpu.memory_space<hbm>> -> memref<128x128xf32, #tpu.memory_space<hbm>>
        tpu.enqueue_dma source(%arg11 : memref<128x128xf32, #tpu.memory_space<vmem>>) target(%dma_start3A_40 : memref<128x128xf32, #tpu.memory_space<hbm>>) target_semaphore(%run_scoped3A : memref<!tpu.dma_semaphore, #tpu.memory_space<semaphore_mem>>)
        %dma_wait3A_41 = arith.constant 0 : i32
        %dma_wait3A_42 = tpu.memref_slice %arg7[%add3A_14, %dma_wait3A_41] : memref<106496x128xf32, #tpu.memory_space<hbm>> -> memref<128x128xf32, #tpu.memory_space<hbm>>
        %dma_wait3A_43 = arith.constant 0 : i32
        %dma_wait3A_44 = tpu.memref_slice %arg7[%add3A_14, %dma_wait3A_43] : memref<106496x128xf32, #tpu.memory_space<hbm>> -> memref<128x128xf32, #tpu.memory_space<hbm>>
        tpu.wait_dma2 semaphore(%run_scoped3A : memref<!tpu.dma_semaphore, #tpu.memory_space<semaphore_mem>>) src(%arg11 : memref<128x128xf32, #tpu.memory_space<vmem>>) dst(%dma_wait3A_44 : memref<128x128xf32, #tpu.memory_space<hbm>>)
        tpu.yield
      }) : () -> ()
    }
    %scan3A_6 = arith.constant 26 : i32
    return
  }
}

module attributes {stable_mosaic.version = 14 : i64} {
  func.func @_repack_body(%arg0: i32, %arg1: i32, %arg2: memref<32x12544xf32, #tpu.memory_space<vmem>>, %arg3: memref<32x12544xf32, #tpu.memory_space<vmem>>, %arg4: memref<32x12544xf32, #tpu.memory_space<vmem>>, %arg5: memref<32x12544xf32, #tpu.memory_space<vmem>>, %arg6: memref<12544x128xf32, #tpu.memory_space<vmem>>) attributes {dimension_semantics = [#tpu.dimension_semantics<arbitrary>, #tpu.dimension_semantics<arbitrary>], iteration_bounds = array<i64: 26, 2>, scalar_prefetch = 0 : i64, scratch_operands = 0 : i64, tpu.core_type = #tpu.core_type<tc>, window_params = [{transform_indices = @transform_0, window_bounds = array<i64: 32, 12544>}, {transform_indices = @transform_1, window_bounds = array<i64: 32, 12544>}, {transform_indices = @transform_2, window_bounds = array<i64: 32, 12544>}, {transform_indices = @transform_3, window_bounds = array<i64: 32, 12544>}, {transform_indices = @transform_4, window_bounds = array<i64: 12544, 128>}]} {
    %iota3A = tpu.iota {dimensions = array<i32: 0>} : vector<128x128xi32>
    %iota3A_0 = tpu.iota {dimensions = array<i32: 1>} : vector<128x128xi32>
    %eq3A = arith.cmpi eq, %iota3A, %iota3A_0 : vector<128x128xi32>
    %convert_element_type3A = arith.extui %eq3A : vector<128x128xi1> to vector<128x128xi32>
    %convert_element_type3A_1 = arith.sitofp %convert_element_type3A : vector<128x128xi32> to vector<128x128xf32>
    %convert_element_type3A_2 = arith.truncf %convert_element_type3A_1 : vector<128x128xf32> to vector<128x128xbf16>
    %get3A = arith.constant 0 : index
    %get3A_3 = arith.constant 0 : index
    %get3A_4 = vector.load %arg2[%get3A, %get3A_3] : memref<32x12544xf32, #tpu.memory_space<vmem>>, vector<32x12544xf32>
    %convert_element_type3A_5 = arith.truncf %get3A_4 : vector<32x12544xf32> to vector<32x12544xbf16>
    %get3A_6 = arith.constant 0 : index
    %get3A_7 = arith.constant 0 : index
    %get3A_8 = vector.load %arg3[%get3A_6, %get3A_7] : memref<32x12544xf32, #tpu.memory_space<vmem>>, vector<32x12544xf32>
    %convert_element_type3A_9 = arith.truncf %get3A_8 : vector<32x12544xf32> to vector<32x12544xbf16>
    %get3A_10 = arith.constant 0 : index
    %get3A_11 = arith.constant 0 : index
    %get3A_12 = vector.load %arg4[%get3A_10, %get3A_11] : memref<32x12544xf32, #tpu.memory_space<vmem>>, vector<32x12544xf32>
    %convert_element_type3A_13 = arith.truncf %get3A_12 : vector<32x12544xf32> to vector<32x12544xbf16>
    %get3A_14 = arith.constant 0 : index
    %get3A_15 = arith.constant 0 : index
    %get3A_16 = vector.load %arg5[%get3A_14, %get3A_15] : memref<32x12544xf32, #tpu.memory_space<vmem>>, vector<32x12544xf32>
    %convert_element_type3A_17 = arith.truncf %get3A_16 : vector<32x12544xf32> to vector<32x12544xbf16>
    %concatenate3A = tpu.concatenate %convert_element_type3A_5, %convert_element_type3A_9, %convert_element_type3A_13, %convert_element_type3A_17 in 0 : vector<32x12544xbf16>, vector<32x12544xbf16>, vector<32x12544xbf16>, vector<32x12544xbf16> -> vector<128x12544xbf16>
    %dot_general3A = arith.constant dense<0.000000e+00> : vector<12544x128xf32>
    %dot_general3A_18 = tpu.matmul %concatenate3A, %convert_element_type3A_2, %dot_general3A {dimension_numbers = #tpu.dot_dimension_numbers<[0], [0], [1], [1], [0, 1, 1, 1], [], []>, transpose_lhs_hint = false} : vector<128x12544xbf16>, vector<128x128xbf16>, vector<12544x128xf32> -> vector<12544x128xf32>
    %swap3A = arith.constant 0 : index
    %swap3A_19 = arith.constant 0 : index
    %swap3A_20 = vector.load %arg6[%swap3A, %swap3A_19] : memref<12544x128xf32, #tpu.memory_space<vmem>>, vector<12544x128xf32>
    tpu.vector_store %arg6[%swap3A, %swap3A_19], %dot_general3A_18 {strides = array<i32>} : memref<12544x128xf32, #tpu.memory_space<vmem>>, vector<12544x128xf32>,
    return
  }
  func.func @transform_0(%arg0: i32, %arg1: i32) -> (i32, i32) {
    %add3A = arith.constant 0 : i32
    %add3A_0 = arith.addi %add3A, %arg1 : i32
    %c0_i32 = arith.constant 0 : i32
    return %arg0, %add3A_0 : i32, i32
  }
  func.func @transform_1(%arg0: i32, %arg1: i32) -> (i32, i32) {
    %add3A = arith.constant 2 : i32
    %add3A_0 = arith.addi %add3A, %arg1 : i32
    %c0_i32 = arith.constant 0 : i32
    return %arg0, %add3A_0 : i32, i32
  }
  func.func @transform_2(%arg0: i32, %arg1: i32) -> (i32, i32) {
    %add3A = arith.constant 4 : i32
    %add3A_0 = arith.addi %add3A, %arg1 : i32
    %c0_i32 = arith.constant 0 : i32
    return %arg0, %add3A_0 : i32, i32
  }
  func.func @transform_3(%arg0: i32, %arg1: i32) -> (i32, i32) {
    %add3A = arith.constant 6 : i32
    %add3A_0 = arith.addi %add3A, %arg1 : i32
    %c0_i32 = arith.constant 0 : i32
    return %arg0, %add3A_0 : i32, i32
  }
  func.func @transform_4(%arg0: i32, %arg1: i32) -> (i32, i32) {
    %mul3A = arith.constant 2 : i32
    %mul3A_0 = arith.muli %arg0, %mul3A : i32
    %add3A = arith.addi %mul3A_0, %arg1 : i32
    %c0_i32 = arith.constant 0 : i32
    %c0_i32_1 = arith.constant 0 : i32
    return %add3A, %c0_i32 : i32, i32
  }
}

module attributes {stable_mosaic.version = 14 : i64} {
  func.func @_mlp_body(%arg0: i32, %arg1: memref<512x3328xf32, #tpu.memory_space<vmem>>, %arg2: memref<512x3328xf32, #tpu.memory_space<vmem>>, %arg3: memref<512x26xi32, #tpu.memory_space<vmem>>, %arg4: memref<512x26xi32, #tpu.memory_space<vmem>>, %arg5: memref<26x3328xf32, #tpu.memory_space<vmem>>, %arg6: memref<3328x832xbf16, #tpu.memory_space<vmem>>, %arg7: memref<1xf32, #tpu.memory_space<vmem>>, %arg8: memref<832x1024xbf16, #tpu.memory_space<vmem>>, %arg9: memref<1024xf32, #tpu.memory_space<vmem>>, %arg10: memref<1024x512xbf16, #tpu.memory_space<vmem>>, %arg11: memref<512xf32, #tpu.memory_space<vmem>>, %arg12: memref<512x256xbf16, #tpu.memory_space<vmem>>, %arg13: memref<256xf32, #tpu.memory_space<vmem>>, %arg14: memref<1x256xf32, #tpu.memory_space<vmem>>, %arg15: memref<1xf32, #tpu.memory_space<vmem>>, %arg16: memref<512xf32, #tpu.memory_space<vmem>>) attributes {dimension_semantics = [#tpu.dimension_semantics<arbitrary>], iteration_bounds = array<i64: 8>, scalar_prefetch = 0 : i64, scratch_operands = 0 : i64, tpu.core_type = #tpu.core_type<tc>, window_params = [{transform_indices = @transform_0, window_bounds = array<i64: 512, 3328>}, {transform_indices = @transform_1, window_bounds = array<i64: 512, 3328>}, {transform_indices = @transform_2, window_bounds = array<i64: 512, 26>}, {transform_indices = @transform_3, window_bounds = array<i64: 512, 26>}, {pipeline_mode = #tpu.pipeline_mode<synchronous>, transform_indices = @transform_4, window_bounds = array<i64: 26, 3328>}, {pipeline_mode = #tpu.pipeline_mode<synchronous>, transform_indices = @transform_5, window_bounds = array<i64: 3328, 832>}, {pipeline_mode = #tpu.pipeline_mode<synchronous>, transform_indices = @transform_6, window_bounds = array<i64: 1>}, {pipeline_mode = #tpu.pipeline_mode<synchronous>, transform_indices = @transform_7, window_bounds = array<i64: 832, 1024>}, {pipeline_mode = #tpu.pipeline_mode<synchronous>, transform_indices = @transform_8, window_bounds = array<i64: 1024>}, {pipeline_mode = #tpu.pipeline_mode<synchronous>, transform_indices = @transform_9, window_bounds = array<i64: 1024, 512>}, {pipeline_mode = #tpu.pipeline_mode<synchronous>, transform_indices = @transform_10, window_bounds = array<i64: 512>}, {pipeline_mode = #tpu.pipeline_mode<synchronous>, transform_indices = @transform_11, window_bounds = array<i64: 512, 256>}, {pipeline_mode = #tpu.pipeline_mode<synchronous>, transform_indices = @transform_12, window_bounds = array<i64: 256>}, {pipeline_mode = #tpu.pipeline_mode<synchronous>, transform_indices = @transform_13, window_bounds = array<i64: 1, 256>}, {pipeline_mode = #tpu.pipeline_mode<synchronous>, transform_indices = @transform_14, window_bounds = array<i64: 1>}, {transform_indices = @transform_15, window_bounds = array<i64: 512>}]} {
    %get3A = arith.constant 0 : index
    %get3A_0 = arith.constant 0 : index
    %get3A_1 = vector.load %arg5[%get3A, %get3A_0] : memref<26x3328xf32, #tpu.memory_space<vmem>>, vector<26x3328xf32>
    %iota3A = tpu.iota {dimensions = array<i32: 1>} : vector<512x3328xi32>
    %jit3A = arith.constant 128 : i32
    %eq3A = arith.constant 0 : i32
    %eq3A_2 = arith.cmpi eq, %jit3A, %eq3A : i32
    %jit3A_3 = arith.constant 1 : i32
    %select_n3A = arith.select %eq3A_2, %jit3A_3, %jit3A : i32
    %rem3A = vector.broadcast %select_n3A : i32 to vector<512x3328xi32>
    %rem3A_4 = arith.remsi %iota3A, %rem3A : vector<512x3328xi32>
    %ne3A = arith.constant 0 : i32
    %ne3A_5 = vector.broadcast %ne3A : i32 to vector<512x3328xi32>
    %ne3A_6 = arith.cmpi ne, %rem3A_4, %ne3A_5 : vector<512x3328xi32>
    %lt3A = arith.constant 0 : i32
    %lt3A_7 = vector.broadcast %lt3A : i32 to vector<512x3328xi32>
    %lt3A_8 = arith.cmpi slt, %rem3A_4, %lt3A_7 : vector<512x3328xi32>
    %lt3A_9 = arith.constant 0 : i32
    %lt3A_10 = arith.cmpi slt, %select_n3A, %lt3A_9 : i32
    %ne3A_11 = vector.broadcast %lt3A_10 : i1 to vector<512x3328xi1>
    %ne3A_12 = vector.broadcast %ne3A_11 : vector<512x3328xi1> to vector<512x3328xi1>
    %ne3A_13 = arith.xori %lt3A_8, %ne3A_12 : vector<512x3328xi1>
    %and3A = arith.andi %ne3A_13, %ne3A_6 : vector<512x3328xi1>
    %add3A = vector.broadcast %select_n3A : i32 to vector<512x3328xi32>
    %add3A_14 = arith.addi %rem3A_4, %add3A : vector<512x3328xi32>
    %select_n3A_15 = arith.select %and3A, %add3A_14, %rem3A_4 : vector<512x3328xi1>, vector<512x3328xi32>
    %get3A_16 = arith.constant 0 : index
    %get3A_17 = arith.constant 0 : index
    %get3A_18 = vector.load %arg3[%get3A_16, %get3A_17] : memref<512x26xi32, #tpu.memory_space<vmem>>, vector<512x26xi32>
    %convert_element_type3A = arith.sitofp %get3A_18 : vector<512x26xi32> to vector<512x26xf32>
    %dot_general3A = arith.constant dense<0.000000e+00> : vector<512x3328xf32>
    %dot_general3A_19 = tpu.matmul %convert_element_type3A, %get3A_1, %dot_general3A {dimension_numbers = #tpu.dot_dimension_numbers<[1], [0], [0], [1], [0, 0, 1, 1], [], []>, transpose_lhs_hint = false} : vector<512x26xf32>, vector<26x3328xf32>, vector<512x3328xf32> -> vector<512x3328xf32>
    %jit3A_20 = arith.constant 32 : i32
    %div3A = vector.broadcast %jit3A_20 : i32 to vector<512x3328xi32>
    %div3A_21 = arith.divsi %select_n3A_15, %div3A : vector<512x3328xi32>
    %sign3A = arith.constant 0 : i32
    %sign3A_22 = vector.broadcast %sign3A : i32 to vector<512x3328xi32>
    %sign3A_23 = arith.cmpi sgt, %select_n3A_15, %sign3A_22 : vector<512x3328xi32>
    %sign3A_24 = arith.extui %sign3A_23 : vector<512x3328xi1> to vector<512x3328xi32>
    %sign3A_25 = arith.constant 0 : i32
    %sign3A_26 = vector.broadcast %sign3A_25 : i32 to vector<512x3328xi32>
    %sign3A_27 = arith.cmpi slt, %select_n3A_15, %sign3A_26 : vector<512x3328xi32>
    %sign3A_28 = arith.extui %sign3A_27 : vector<512x3328xi1> to vector<512x3328xi32>
    %sign3A_29 = arith.subi %sign3A_24, %sign3A_28 : vector<512x3328xi32>
    %sign3A_30 = arith.constant 0 : i32
    %sign3A_31 = arith.cmpi sgt, %jit3A_20, %sign3A_30 : i32
    %sign3A_32 = arith.extui %sign3A_31 : i1 to i32
    %sign3A_33 = arith.constant 0 : i32
    %sign3A_34 = arith.cmpi slt, %jit3A_20, %sign3A_33 : i32
    %sign3A_35 = arith.extui %sign3A_34 : i1 to i32
    %sign3A_36 = arith.subi %sign3A_32, %sign3A_35 : i32
    %ne3A_37 = vector.broadcast %sign3A_36 : i32 to vector<512x3328xi32>
    %ne3A_38 = arith.cmpi ne, %sign3A_29, %ne3A_37 : vector<512x3328xi32>
    %rem3A_39 = vector.broadcast %jit3A_20 : i32 to vector<512x3328xi32>
    %rem3A_40 = arith.remsi %select_n3A_15, %rem3A_39 : vector<512x3328xi32>
    %ne3A_41 = arith.constant 0 : i32
    %ne3A_42 = vector.broadcast %ne3A_41 : i32 to vector<512x3328xi32>
    %ne3A_43 = arith.cmpi ne, %rem3A_40, %ne3A_42 : vector<512x3328xi32>
    %and3A_44 = arith.andi %ne3A_38, %ne3A_43 : vector<512x3328xi1>
    %sub3A = arith.constant 1 : i32
    %sub3A_45 = vector.broadcast %sub3A : i32 to vector<512x3328xi32>
    %sub3A_46 = arith.subi %div3A_21, %sub3A_45 : vector<512x3328xi32>
    %select_n3A_47 = arith.select %and3A_44, %sub3A_46, %div3A_21 : vector<512x3328xi1>, vector<512x3328xi32>
    %convert_element_type3A_48 = arith.fptosi %dot_general3A_19 : vector<512x3328xf32> to vector<512x3328xi32>
    %eq3A_49 = arith.cmpi eq, %select_n3A_47, %convert_element_type3A_48 : vector<512x3328xi32>
    %convert_element_type3A_50 = arith.extui %eq3A_49 : vector<512x3328xi1> to vector<512x3328xi32>
    %convert_element_type3A_51 = arith.sitofp %convert_element_type3A_50 : vector<512x3328xi32> to vector<512x3328xf32>
    %get3A_52 = arith.constant 0 : index
    %get3A_53 = arith.constant 0 : index
    %get3A_54 = vector.load %arg1[%get3A_52, %get3A_53] : memref<512x3328xf32, #tpu.memory_space<vmem>>, vector<512x3328xf32>
    %mul3A = arith.mulf %get3A_54, %convert_element_type3A_51 : vector<512x3328xf32>
    %convert_element_type3A_55 = arith.truncf %mul3A : vector<512x3328xf32> to vector<512x3328xbf16>
    %get3A_56 = arith.constant 0 : index
    %get3A_57 = arith.constant 0 : index
    %get3A_58 = vector.load %arg6[%get3A_56, %get3A_57] : memref<3328x832xbf16, #tpu.memory_space<vmem>>, vector<3328x832xbf16>
    %dot_general3A_59 = arith.constant dense<0.000000e+00> : vector<512x832xf32>
    %dot_general3A_60 = tpu.matmul %convert_element_type3A_55, %get3A_58, %dot_general3A_59 {dimension_numbers = #tpu.dot_dimension_numbers<[1], [0], [0], [1], [0, 0, 1, 1], [], []>, transpose_lhs_hint = false} : vector<512x3328xbf16>, vector<3328x832xbf16>, vector<512x832xf32> -> vector<512x832xf32>
    %get3A_61 = arith.constant 0 : index
    %get3A_62 = arith.constant 0 : index
    %get3A_63 = vector.load %arg4[%get3A_61, %get3A_62] : memref<512x26xi32, #tpu.memory_space<vmem>>, vector<512x26xi32>
    %convert_element_type3A_64 = arith.sitofp %get3A_63 : vector<512x26xi32> to vector<512x26xf32>
    %dot_general3A_65 = arith.constant dense<0.000000e+00> : vector<512x3328xf32>
    %dot_general3A_66 = tpu.matmul %convert_element_type3A_64, %get3A_1, %dot_general3A_65 {dimension_numbers = #tpu.dot_dimension_numbers<[1], [0], [0], [1], [0, 0, 1, 1], [], []>, transpose_lhs_hint = false} : vector<512x26xf32>, vector<26x3328xf32>, vector<512x3328xf32> -> vector<512x3328xf32>
    %convert_element_type3A_67 = arith.fptosi %dot_general3A_66 : vector<512x3328xf32> to vector<512x3328xi32>
    %eq3A_68 = arith.cmpi eq, %select_n3A_15, %convert_element_type3A_67 : vector<512x3328xi32>
    %convert_element_type3A_69 = arith.extui %eq3A_68 : vector<512x3328xi1> to vector<512x3328xi32>
    %convert_element_type3A_70 = arith.sitofp %convert_element_type3A_69 : vector<512x3328xi32> to vector<512x3328xf32>
    %get3A_71 = arith.constant 0 : index
    %get3A_72 = arith.constant 0 : index
    %get3A_73 = vector.load %arg2[%get3A_71, %get3A_72] : memref<512x3328xf32, #tpu.memory_space<vmem>>, vector<512x3328xf32>
    %mul3A_74 = arith.mulf %get3A_73, %convert_element_type3A_70 : vector<512x3328xf32>
    %reduce_sum3A = arith.constant dense<0.000000e+00> : vector<512xf32>
    %reduce_sum3A_75 = vector.multi_reduction <add>, %mul3A_74, %reduce_sum3A [1] : vector<512x3328xf32> to vector<512xf32>
    %mul3A_76 = arith.mulf %dot_general3A_60, %dot_general3A_60 : vector<512x832xf32>
    %reduce_sum3A_77 = arith.constant dense<0.000000e+00> : vector<512xf32>
    %reduce_sum3A_78 = vector.multi_reduction <add>, %mul3A_76, %reduce_sum3A_77 [1] : vector<512x832xf32> to vector<512xf32>
    %iota3A_79 = tpu.iota {dimensions = array<i32: 0>} : vector<832x32xi32>
    %iota3A_80 = tpu.iota {dimensions = array<i32: 1>} : vector<832x32xi32>
    %jit3A_81 = arith.constant 32 : i32
    %eq3A_82 = arith.constant 0 : i32
    %eq3A_83 = arith.cmpi eq, %jit3A_81, %eq3A_82 : i32
    %jit3A_84 = arith.constant 1 : i32
    %select_n3A_85 = arith.select %eq3A_83, %jit3A_84, %jit3A_81 : i32
    %rem3A_86 = vector.broadcast %select_n3A_85 : i32 to vector<832x32xi32>
    %rem3A_87 = arith.remsi %iota3A_79, %rem3A_86 : vector<832x32xi32>
    %ne3A_88 = arith.constant 0 : i32
    %ne3A_89 = vector.broadcast %ne3A_88 : i32 to vector<832x32xi32>
    %ne3A_90 = arith.cmpi ne, %rem3A_87, %ne3A_89 : vector<832x32xi32>
    %lt3A_91 = arith.constant 0 : i32
    %lt3A_92 = vector.broadcast %lt3A_91 : i32 to vector<832x32xi32>
    %lt3A_93 = arith.cmpi slt, %rem3A_87, %lt3A_92 : vector<832x32xi32>
    %lt3A_94 = arith.constant 0 : i32
    %lt3A_95 = arith.cmpi slt, %select_n3A_85, %lt3A_94 : i32
    %ne3A_96 = vector.broadcast %lt3A_95 : i1 to vector<832x32xi1>
    %ne3A_97 = vector.broadcast %ne3A_96 : vector<832x32xi1> to vector<832x32xi1>
    %ne3A_98 = arith.xori %lt3A_93, %ne3A_97 : vector<832x32xi1>
    %and3A_99 = arith.andi %ne3A_98, %ne3A_90 : vector<832x32xi1>
    %add3A_100 = vector.broadcast %select_n3A_85 : i32 to vector<832x32xi32>
    %add3A_101 = arith.addi %rem3A_87, %add3A_100 : vector<832x32xi32>
    %select_n3A_102 = arith.select %and3A_99, %add3A_101, %rem3A_87 : vector<832x32xi1>, vector<832x32xi32>
    %eq3A_103 = arith.cmpi eq, %select_n3A_102, %iota3A_80 : vector<832x32xi32>
    %convert_element_type3A_104 = arith.extui %eq3A_103 : vector<832x32xi1> to vector<832x32xi32>
    %convert_element_type3A_105 = arith.sitofp %convert_element_type3A_104 : vector<832x32xi32> to vector<832x32xf32>
    %convert_element_type3A_106 = arith.truncf %convert_element_type3A_105 : vector<832x32xf32> to vector<832x32xbf16>
    %convert_element_type3A_107 = arith.truncf %dot_general3A_60 : vector<512x832xf32> to vector<512x832xbf16>
    %dot_general3A_108 = arith.constant dense<0.000000e+00> : vector<512x32xf32>
    %dot_general3A_109 = tpu.matmul %convert_element_type3A_107, %convert_element_type3A_106, %dot_general3A_108 {dimension_numbers = #tpu.dot_dimension_numbers<[1], [0], [0], [1], [0, 0, 1, 1], [], []>, transpose_lhs_hint = false} : vector<512x832xbf16>, vector<832x32xbf16>, vector<512x32xf32> -> vector<512x32xf32>
    %mul3A_110 = arith.mulf %dot_general3A_109, %dot_general3A_109 : vector<512x32xf32>
    %reduce_sum3A_111 = arith.constant dense<0.000000e+00> : vector<512xf32>
    %reduce_sum3A_112 = vector.multi_reduction <add>, %mul3A_110, %reduce_sum3A_111 [1] : vector<512x32xf32> to vector<512xf32>
    %sub3A_113 = arith.subf %reduce_sum3A_112, %reduce_sum3A_78 : vector<512xf32>
    %mul3A_114 = arith.constant 5.000000e-01 : f32
    %mul3A_115 = vector.broadcast %mul3A_114 : f32 to vector<512xf32>
    %mul3A_116 = arith.mulf %mul3A_115, %sub3A_113 : vector<512xf32>
    %add3A_117 = arith.addf %reduce_sum3A_75, %mul3A_116 : vector<512xf32>
    %get3A_118 = arith.constant 0 : index
    %get3A_119 = vector.load %arg7[%get3A_118] : memref<1xf32, #tpu.memory_space<vmem>>, vector<1xf32>
    %add3A_120 = vector.broadcast %get3A_119 : vector<1xf32> to vector<512xf32>
    %add3A_121 = arith.addf %add3A_117, %add3A_120 : vector<512xf32>
    %get3A_122 = arith.constant 0 : index
    %get3A_123 = arith.constant 0 : index
    %get3A_124 = vector.load %arg8[%get3A_122, %get3A_123] : memref<832x1024xbf16, #tpu.memory_space<vmem>>, vector<832x1024xbf16>
    %dot_general3A_125 = arith.constant dense<0.000000e+00> : vector<512x1024xf32>
    %dot_general3A_126 = tpu.matmul %convert_element_type3A_107, %get3A_124, %dot_general3A_125 {dimension_numbers = #tpu.dot_dimension_numbers<[1], [0], [0], [1], [0, 0, 1, 1], [], []>, transpose_lhs_hint = false} : vector<512x832xbf16>, vector<832x1024xbf16>, vector<512x1024xf32> -> vector<512x1024xf32>
    %get3A_127 = arith.constant 0 : index
    %get3A_128 = vector.load %arg9[%get3A_127] : memref<1024xf32, #tpu.memory_space<vmem>>, vector<1024xf32>
    %broadcast_in_dim3A = vector.shape_cast %get3A_128 : vector<1024xf32> to vector<1x1024xf32>
    %add3A_129 = vector.broadcast %broadcast_in_dim3A : vector<1x1024xf32> to vector<512x1024xf32>
    %add3A_130 = arith.addf %dot_general3A_126, %add3A_129 : vector<512x1024xf32>
    %max3A = arith.constant 0.000000e+00 : f32
    %max3A_131 = vector.broadcast %max3A : f32 to vector<512x1024xf32>
    %max3A_132 = arith.maximumf %add3A_130, %max3A_131 : vector<512x1024xf32>
    %convert_element_type3A_133 = arith.truncf %max3A_132 : vector<512x1024xf32> to vector<512x1024xbf16>
    %get3A_134 = arith.constant 0 : index
    %get3A_135 = arith.constant 0 : index
    %get3A_136 = vector.load %arg10[%get3A_134, %get3A_135] : memref<1024x512xbf16, #tpu.memory_space<vmem>>, vector<1024x512xbf16>
    %dot_general3A_137 = arith.constant dense<0.000000e+00> : vector<512x512xf32>
    %dot_general3A_138 = tpu.matmul %convert_element_type3A_133, %get3A_136, %dot_general3A_137 {dimension_numbers = #tpu.dot_dimension_numbers<[1], [0], [0], [1], [0, 0, 1, 1], [], []>, transpose_lhs_hint = false} : vector<512x1024xbf16>, vector<1024x512xbf16>, vector<512x512xf32> -> vector<512x512xf32>
    %get3A_139 = arith.constant 0 : index
    %get3A_140 = vector.load %arg11[%get3A_139] : memref<512xf32, #tpu.memory_space<vmem>>, vector<512xf32>
    %broadcast_in_dim3A_141 = vector.shape_cast %get3A_140 : vector<512xf32> to vector<1x512xf32>
    %add3A_142 = vector.broadcast %broadcast_in_dim3A_141 : vector<1x512xf32> to vector<512x512xf32>
    %add3A_143 = arith.addf %dot_general3A_138, %add3A_142 : vector<512x512xf32>
    %max3A_144 = arith.constant 0.000000e+00 : f32
    %max3A_145 = vector.broadcast %max3A_144 : f32 to vector<512x512xf32>
    %max3A_146 = arith.maximumf %add3A_143, %max3A_145 : vector<512x512xf32>
    %convert_element_type3A_147 = arith.truncf %max3A_146 : vector<512x512xf32> to vector<512x512xbf16>
    %get3A_148 = arith.constant 0 : index
    %get3A_149 = arith.constant 0 : index
    %get3A_150 = vector.load %arg12[%get3A_148, %get3A_149] : memref<512x256xbf16, #tpu.memory_space<vmem>>, vector<512x256xbf16>
    %dot_general3A_151 = arith.constant dense<0.000000e+00> : vector<512x256xf32>
    %dot_general3A_152 = tpu.matmul %convert_element_type3A_147, %get3A_150, %dot_general3A_151 {dimension_numbers = #tpu.dot_dimension_numbers<[1], [0], [0], [1], [0, 0, 1, 1], [], []>, transpose_lhs_hint = false} : vector<512x512xbf16>, vector<512x256xbf16>, vector<512x256xf32> -> vector<512x256xf32>
    %get3A_153 = arith.constant 0 : index
    %get3A_154 = vector.load %arg13[%get3A_153] : memref<256xf32, #tpu.memory_space<vmem>>, vector<256xf32>
    %broadcast_in_dim3A_155 = vector.shape_cast %get3A_154 : vector<256xf32> to vector<1x256xf32>
    %add3A_156 = vector.broadcast %broadcast_in_dim3A_155 : vector<1x256xf32> to vector<512x256xf32>
    %add3A_157 = arith.addf %dot_general3A_152, %add3A_156 : vector<512x256xf32>
    %max3A_158 = arith.constant 0.000000e+00 : f32
    %max3A_159 = vector.broadcast %max3A_158 : f32 to vector<512x256xf32>
    %max3A_160 = arith.maximumf %add3A_157, %max3A_159 : vector<512x256xf32>
    %convert_element_type3A_161 = arith.truncf %max3A_160 : vector<512x256xf32> to vector<512x256xbf16>
    %convert_element_type3A_162 = arith.extf %convert_element_type3A_161 : vector<512x256xbf16> to vector<512x256xf32>
    %get3A_163 = arith.constant 0 : index
    %get3A_164 = arith.constant 0 : index
    %get3A_165 = vector.load %arg14[%get3A_163, %get3A_164] : memref<1x256xf32, #tpu.memory_space<vmem>>, vector<1x256xf32>
    %mul3A_166 = vector.broadcast %get3A_165 : vector<1x256xf32> to vector<512x256xf32>
    %mul3A_167 = arith.mulf %convert_element_type3A_162, %mul3A_166 : vector<512x256xf32>
    %reduce_sum3A_168 = arith.constant dense<0.000000e+00> : vector<512xf32>
    %reduce_sum3A_169 = vector.multi_reduction <add>, %mul3A_167, %reduce_sum3A_168 [1] : vector<512x256xf32> to vector<512xf32>
    %get3A_170 = arith.constant 0 : index
    %get3A_171 = vector.load %arg15[%get3A_170] : memref<1xf32, #tpu.memory_space<vmem>>, vector<1xf32>
    %add3A_172 = vector.broadcast %get3A_171 : vector<1xf32> to vector<512xf32>
    %add3A_173 = arith.addf %reduce_sum3A_169, %add3A_172 : vector<512xf32>
    %max3A_174 = arith.constant 0.000000e+00 : f32
    %max3A_175 = vector.broadcast %max3A_174 : f32 to vector<512xf32>
    %max3A_176 = arith.maximumf %add3A_173, %max3A_175 : vector<512xf32>
    %add3A_177 = arith.addf %add3A_121, %max3A_176 : vector<512xf32>
    %logistic3A = arith.negf %add3A_177 : vector<512xf32>
    %logistic3A_178 = math.exp %logistic3A : vector<512xf32>
    %logistic3A_179 = arith.constant 1.000000e+00 : f32
    %logistic3A_180 = vector.broadcast %logistic3A_179 : f32 to vector<512xf32>
    %logistic3A_181 = arith.addf %logistic3A_180, %logistic3A_178 : vector<512xf32>
    %logistic3A_182 = arith.divf %logistic3A_180, %logistic3A_181 : vector<512xf32>
    %swap3A = arith.constant 0 : index
    %swap3A_183 = vector.load %arg16[%swap3A] : memref<512xf32, #tpu.memory_space<vmem>>, vector<512xf32>
    tpu.vector_store %arg16[%swap3A], %logistic3A_182 {strides = array<i32>} : memref<512xf32, #tpu.memory_space<vmem>>, vector<512xf32>,
    return
  }
  func.func @transform_0(%arg0: i32) -> (i32, i32) {
    %c0_i32 = arith.constant 0 : i32
    %c0_i32_0 = arith.constant 0 : i32
    return %arg0, %c0_i32 : i32, i32
  }
  func.func @transform_1(%arg0: i32) -> (i32, i32) {
    %c0_i32 = arith.constant 0 : i32
    %c0_i32_0 = arith.constant 0 : i32
    return %arg0, %c0_i32 : i32, i32
  }
  func.func @transform_2(%arg0: i32) -> (i32, i32) {
    %c0_i32 = arith.constant 0 : i32
    %c0_i32_0 = arith.constant 0 : i32
    return %arg0, %c0_i32 : i32, i32
  }
  func.func @transform_3(%arg0: i32) -> (i32, i32) {
    %c0_i32 = arith.constant 0 : i32
    %c0_i32_0 = arith.constant 0 : i32
    return %arg0, %c0_i32 : i32, i32
  }
  func.func @transform_4(%arg0: i32) -> (i32, i32) {
    %c0_i32 = arith.constant 0 : i32
    %c0_i32_0 = arith.constant 0 : i32
    %c0_i32_1 = arith.constant 0 : i32
    return %c0_i32, %c0_i32_0 : i32, i32
  }
  func.func @transform_5(%arg0: i32) -> (i32, i32) {
    %c0_i32 = arith.constant 0 : i32
    %c0_i32_0 = arith.constant 0 : i32
    %c0_i32_1 = arith.constant 0 : i32
    return %c0_i32, %c0_i32_0 : i32, i32
  }
  func.func @transform_6(%arg0: i32) -> i32 {
    %c0_i32 = arith.constant 0 : i32
    %c0_i32_0 = arith.constant 0 : i32
    return %c0_i32 : i32
  }
  func.func @transform_7(%arg0: i32) -> (i32, i32) {
    %c0_i32 = arith.constant 0 : i32
    %c0_i32_0 = arith.constant 0 : i32
    %c0_i32_1 = arith.constant 0 : i32
    return %c0_i32, %c0_i32_0 : i32, i32
  }
  func.func @transform_8(%arg0: i32) -> i32 {
    %c0_i32 = arith.constant 0 : i32
    %c0_i32_0 = arith.constant 0 : i32
    return %c0_i32 : i32
  }
  func.func @transform_9(%arg0: i32) -> (i32, i32) {
    %c0_i32 = arith.constant 0 : i32
    %c0_i32_0 = arith.constant 0 : i32
    %c0_i32_1 = arith.constant 0 : i32
    return %c0_i32, %c0_i32_0 : i32, i32
  }
  func.func @transform_10(%arg0: i32) -> i32 {
    %c0_i32 = arith.constant 0 : i32
    %c0_i32_0 = arith.constant 0 : i32
    return %c0_i32 : i32
  }
  func.func @transform_11(%arg0: i32) -> (i32, i32) {
    %c0_i32 = arith.constant 0 : i32
    %c0_i32_0 = arith.constant 0 : i32
    %c0_i32_1 = arith.constant 0 : i32
    return %c0_i32, %c0_i32_0 : i32, i32
  }
  func.func @transform_12(%arg0: i32) -> i32 {
    %c0_i32 = arith.constant 0 : i32
    %c0_i32_0 = arith.constant 0 : i32
    return %c0_i32 : i32
  }
  func.func @transform_13(%arg0: i32) -> (i32, i32) {
    %c0_i32 = arith.constant 0 : i32
    %c0_i32_0 = arith.constant 0 : i32
    %c0_i32_1 = arith.constant 0 : i32
    return %c0_i32, %c0_i32_0 : i32, i32
  }
  func.func @transform_14(%arg0: i32) -> i32 {
    %c0_i32 = arith.constant 0 : i32
    %c0_i32_0 = arith.constant 0 : i32
    return %c0_i32 : i32
  }
  func.func @transform_15(%arg0: i32) -> i32 {
    %c0_i32 = arith.constant 0 : i32
    return %arg0 : i32
  }
}

</mosaic_0001>

<sc_bundles>
// kernel: kernel.5.cloned.1.call-start
scs
__scs_entry_jumppad:
0x0: {  	(pc) =	sbr.rel $0x88, $3  }
0x1: {  	(tag) =	ssettag $0x0;
	lr =	simm.s32 $0x1  }
0x2: {  	[smem:$0x3F95] =	sst lr;
	_ =	strace $0xD0000000  }
0x3: {  	_ = 	snop  }
0x4: {  	_ = 	snop  }
0x5: {  	_ = 	snop  }
0x6: {  	_ = 	snop  }
0x7: {  	_ = 	snop  }
__scs_overlays_trampoline_lowered:
0x8: {  	[smem:$0x3FA4] =	sst s0  }
0x9: {  	[smem:$0x3FA5] =	sst s1  }
0xa: {  	[smem:$0x3FA6] =	sst s2  }
0xb: {  	[smem:$0x3FA7] =	sst s3  }
0xc: {  	[smem:$0x3FA8] =	sst s4  }
0xd: {  	[smem:$0x3FA9] =	sst s5  }
0xe: {  	[smem:$0x3FAA] =	sst s6  }
0xf: {  	[smem:$0x3FAB] =	sst s7  }
0x10: {  	[smem:$0x3FAC] =	sst s8  }
0x11: {  	[smem:$0x3FAD] =	sst s9;
	s0 =	simm.s32 @!p0 $0x0  }
0x12: {  	s1 =	sld [smem:$0x3F93];
	s0 =	simm.s32 @p0 $0x1  }
0x13: {  	[smem:$0x3FAE] =	sst s0;
	s0 =	simm.s32 @!p1 $0x0  }
0x14: {  	s2 =	sld [smem:$0x3F92];
	s0 =	simm.s32 @p1 $0x1  }
0x15: {  	[smem:$0x3FAF] =	sst s0;
	s0 =	simm.s32 @!p2 $0x0  }
0x16: {  	s3 =	sld [smem:$0x3FDB];
	s0 =	simm.s32 @p2 $0x1  }
0x17: {  	s4 =	simm.s32 $0x1BF5;
	[smem:$0x3FB1] =	sst s0  }
0x18: {  	s0 =	sld [smem:$0x3F94];
	_ =	swait.ge [sflag:s4], $0x0  }
0x19: {  	s7 =	sld [smem:$0x3F95]  }
0x1a: {  	s8 =	sadd.s32 $0xFFFFE003, lr  }
0x1b: {  	s9 =	sadd.s32 $0xFFFFFEF7, lr;
	s5 =	simm.s32 $0xFFFFFFFF;
	p2 =	slt.u32 s8, $0xFFFFF086  }
0x1c: {  	p1 =	slt.u32 s9, $0xF7A;
	s5 =	simm.s32 @!p2 $0x0  }
0x1d: {  	s5 =	simm.s32 @p1 $0x1;
	p0 =	seq.s32 s7, s2  }
0x1e: {  	s7 =	smul.u32 @!p0 $0xF7A, s2;
	p2 =	seq.s32 @!p0 s5, $0x0  }
0x1f: {  	s9 =	smul.u32 $0xF7A, s1;
	s8 =	simm.s32 @!p0 $0x1BF5;
	p2 =	por !p2, p0  }
0x20: {  	[sflag:s8] =	ssyncset.s32 @!p0 $0xFFFFF086;
	s6 =	sadd.s32 @!p0 s3, s7;
	s7 =	simm.s32 @!p0 $0x108  }
0x21: {  	s3 =	sadd.s32 s3, s9;
	s6 =	sadd.s32 @!p0 $0x88, s6;
	s7 =	simm.s32 @p2 $0x1082  }
0x22: {  	[simem:s7], [sflag:s8] =	dma.local @!p0 [hbm:s6], $0xF7A  }
0x23: {  	s9 =	sor.u32 $0xD0000000, s2;
	s6 =	simm.s32 $0x108;
	_ =	swait.ge @!p0 [sflag:s8], $0x0  }
0x24: {  	s3 =	sadd.s32 $0x88, s3;
	s6 =	simm.s32 @!p1 $0x1082;
	[sflag:s4] =	ssyncset.s32 $0xFFFFF086  }
0x25: {  	[simem:s6], [sflag:s4] =	dma.local [hbm:s3], $0xF7A  }
0x26: {  	[smem:$0x3F95] =	sst s1;
	(tag) =	ssettag s2;
	_ =	strace s9  }
0x27: {  	s1 =	sld [smem:$0x3FA5]  }
0x28: {  	s2 =	sld [smem:$0x3FA6]  }
0x29: {  	s4 =	sld [smem:$0x3FA8]  }
0x2a: {  	p0 =	seq.s32 s5, $0x0;
	s5 =	sld [smem:$0x3FA9]  }
0x2b: {  	s6 =	sld [smem:$0x3FAA]  }
0x2c: {  	s7 =	sld [smem:$0x3FAB]  }
0x2d: {  	s3 =	simm.s32 $0x108;
	s8 =	sld [smem:$0x3FAC]  }
0x2e: {  	s3 =	simm.s32 @!p0 $0x1082;
	s9 =	sld [smem:$0x3FAD]  }
0x2f: {  	lr =	sadd.s32 s0, s3;
	s0 =	sld [smem:$0x3FA4]  }
0x30: {  	s3 =	sld [smem:$0x3FA7]  }
0x31: {  	[smem:$0x3FB0] =	sst s10  }
0x32: {  	s10 =	sld [smem:$0x3FAE];
	_ =	sdelay $0x3  }
0x33: {  	p0 =	seq.s32 s10, $0x1;
	s10 =	sld [smem:$0x3FB0];
	_ =	sdelay $0x3  }
0x34: {  	[smem:$0x3FB0] =	sst s10  }
0x35: {  	s10 =	sld [smem:$0x3FAF];
	_ =	sdelay $0x3  }
0x36: {  	p1 =	seq.s32 s10, $0x1;
	s10 =	sld [smem:$0x3FB0];
	_ =	sdelay $0x3  }
0x37: {  	[smem:$0x3FB0] =	sst s10  }
0x38: {  	s10 =	sld [smem:$0x3FB1]  }
0x39: {  	_ = 	snop;
	(pc) =	sbr.ind lr, $3  }
0x3a: {  	_ = 	snop  }
0x3b: {  	_ = 	snop  }
0x3c: {  	p2 =	seq.s32 s10, $0x1;
	s10 =	sld [smem:$0x3FB0]  }
0x3d: {  	_ =	shalt  }
0x3e: {  	_ =	shalt  }
0x3f: {  	_ =	shalt  }
0x40: {  	_ =	shalt  }
0x41: {  	_ =	shalt  }
0x42: {  	_ =	shalt  }
0x43: {  	_ =	shalt  }
0x44: {  	_ =	shalt  }
0x45: {  	_ =	shalt  }
0x46: {  	_ =	shalt  }
0x47: {  	_ =	shalt  }
0x48: {  	_ =	shalt  }
0x49: {  	_ =	shalt  }
0x4a: {  	_ =	shalt  }
0x4b: {  	_ =	shalt  }
0x4c: {  	_ =	shalt  }
0x4d: {  	_ =	shalt  }
0x4e: {  	_ =	shalt  }
0x4f: {  	_ =	shalt  }
0x50: {  	_ =	shalt  }
0x51: {  	_ =	shalt  }
0x52: {  	_ =	shalt  }
0x53: {  	_ =	shalt  }
0x54: {  	_ =	shalt  }
0x55: {  	_ =	shalt  }
0x56: {  	_ =	shalt  }
0x57: {  	_ =	shalt  }
0x58: {  	_ =	shalt  }
0x59: {  	_ =	shalt  }
0x5a: {  	_ =	shalt  }
0x5b: {  	_ =	shalt  }
0x5c: {  	_ =	shalt  }
0x5d: {  	_ =	shalt  }
0x5e: {  	_ =	shalt  }
0x5f: {  	_ =	shalt  }
0x60: {  	_ =	shalt  }
0x61: {  	_ =	shalt  }
0x62: {  	_ =	shalt  }
0x63: {  	_ =	shalt  }
0x64: {  	_ =	shalt  }
0x65: {  	_ =	shalt  }
0x66: {  	_ =	shalt  }
0x67: {  	_ =	shalt  }
0x68: {  	_ =	shalt  }
0x69: {  	_ =	shalt  }
0x6a: {  	_ =	shalt  }
0x6b: {  	_ =	shalt  }
0x6c: {  	_ =	shalt  }
0x6d: {  	_ =	shalt  }
0x6e: {  	_ =	shalt  }
0x6f: {  	_ =	shalt  }
0x70: {  	_ =	shalt  }
0x71: {  	_ =	shalt  }
0x72: {  	_ =	shalt  }
0x73: {  	_ =	shalt  }
0x74: {  	_ =	shalt  }
0x75: {  	_ =	shalt  }
0x76: {  	_ =	shalt  }
0x77: {  	_ =	shalt  }
0x78: {  	_ =	shalt  }
0x79: {  	_ =	shalt  }
0x7a: {  	_ =	shalt  }
0x7b: {  	_ =	shalt  }
0x7c: {  	_ =	shalt  }
0x7d: {  	_ =	shalt  }
0x7e: {  	_ =	shalt  }
0x7f: {  	_ =	shalt  }
0x80: {  	_ =	shalt  }
0x81: {  	_ =	shalt  }
0x82: {  	_ =	shalt  }
0x83: {  	_ =	shalt  }
0x84: {  	_ =	shalt  }
0x85: {  	_ =	shalt  }
0x86: {  	_ =	shalt  }
0x87: {  	_ =	shalt  }
.Lfunc_end0:
.L_simem_size_0:
called_computation_lowered:
.L_overlay_start_0:
0x88: {  	s2 =	sld [smem:$0x3FD9]  }
0x89: {  	s3 =	sld [smem:$0x3FFE];
	_ =	sdelay $0x1  }
0x8a: {  	s1 =	srdreg.scid  }
0x8b: {  	s0 =	sand.u32 $0x1, s1  }
0x8c: {  	s16 =	sshll.u32 s0, $0xA;
	s2 =	sadd.s32 s3, s2  }
0x8d: {  	s2 =	sadd.s32 s2, s16  }
0x8e: {  	[smem:$0x3FBC] =	sst s2  }
0x8f: {  	_ = 	snop  }
0x90: {  	(tm) =	ssettm $0x1  }
0x91: {  	s17 =	sld [smem:$0x3FFB];
	_ =	sdelay $0x3  }
0x92: {  	_ =	strace s17  }
0x93: {  	s2 =	sld [smem:$0x3FFC];
	_ =	sdelay $0x3  }
0x94: {  	_ =	strace s2  }
0x95: {  	s2 =	sld [smem:$0x3FFD];
	_ =	sdelay $0x3  }
0x96: {  	_ =	strace s2  }
0x97: {  	_ =	strace $0x8FFFFFFF  }
0x98: {  	s18 =	sld [smem:$0x3FDB];
	_ =	sdelay $0x1  }
0x99: {  	s19 =	simm.s32 $_scs_section_size  }
0x9a: {  	s4 =	simm.s32 $_size__tile_overlayer_lowered;
	s5 =	simm.s32 $_tile_overlayer_lowered  }
0x9b: {  	s22 =	simm.s32 $0x1BFF;
	s21 =	sshll.u32 s5, $0x1;
	s2 =	sadd.s32 s19, s18  }
0x9c: {  	s6 =	simm.s32 $0x0;
	s20 =	sshll.u32 s4, $0x1;
	s4 =	sadd.s32 s21, s2  }
0x9d: {  	[timem:s6], [sflag:s22] =	dma.local [hbm:s4], s20  }
0x9e: {  	_ =	swait.ge [sflag:s22], s20  }
0x9f: {  	s3 =	ssub.s32 $0x0, s20;
	[sflag:s22] =	ssyncset.done $0x0  }
0xa0: {  	[sflag:s22] =	ssyncadd.s32 s3;
	_ =	sdelay $0x1  }
0xa1: {  	s23 =	simm.s32 $0x1B8B  }
0xa2: {  	_ =	swait.ge [sflag:s23], $0x1  }
0xa3: {  	[sflag:s23] =	ssyncset.done $0x0  }
0xa4: {  	s25 =	simm.s32 $0x1B8E;
	s24 =	sld [smem:$0x3FFE];
	[sflag:s23] =	ssyncadd.s32 $0xFFFFFFFF  }
0xa5: {  	s26 =	simm.s32 $execute0_lowered;
	[smem:$0x3FD2] =	sst s25  }
0xa6: {  	s4 =	sshll.u32 s26, $0x1;
	_ =	strace $0x80000046;
	[dreg:$0x1] =	wrdreg $0xFFFFFFFF  }
0xa7: {  	s28 =	simm.s32 $_size_execute0_lowered;
	s2 =	sadd.s32 s2, s4;
	[dreg:$0x0] =	wrdreg $0x0  }
0xa8: {  	s4 =	sshll.u32 s28, $0x1;
	[dreg:$0x2] =	wrdreg s2  }
0xa9: {  	[dreg:$0x3] =	wrdreg s4  }
0xaa: {  	[dreg:$0x4] =	wrdreg $0xC0  }
0xab: {  	_ =	task [dreg:s6], $0x5FFFF  }
0xac: {  	[dreg:$0x1] =	wrdreg $0xFFFFFFFF  }
0xad: {  	[dreg:$0x0] =	wrdreg $0x60  }
0xae: {  	[dreg:$0x2] =	wrdreg s24  }
0xaf: {  	[dreg:$0x3] =	wrdreg $0x9  }
0xb0: {  	_ =	task.clear_ibuf [dreg:s6], $0x4FFFF;
	_ =	strace $0x90000046  }
0xb1: {  	s29 =	simm.s32 $0x9;
	_ =	strace $0x80000048  }
0xb2: {  	_ =	swait.ge [sflag:s29], $0x1  }
0xb3: {  	[sflag:s29] =	ssyncadd.s32 $0xFFFFFFFF  }
0xb4: {  	_ =	strace $0x90000048  }
0xb5: {  	_ =	sfence  }
0xb6: {  	s30 =	sld [smem:$0x0];
	_ =	sdelay $0x2  }
0xb7: {  	s31 =	sshll.u32 s1, $0xD;
	s1 =	sshrl.u32 s1, $0x2  }
0xb8: {  	s3 =	sand.u32 $0x4000, s31;
	s1 =	sadd.s32 s1, s30  }
0xb9: {  	s0 =	sor.u32 s3, s0;
	s1 =	sshll.u32 s1, $0x11  }
0xba: {  	s0 =	sor.u32 s1, s0  }
0xbb: {  	s0 =	sadd.s32 $0x8F2B, s0  }
0xbc: {  	[sflag:s0] =	ssyncadd.remote.s32 $0x1  }
0xbd: {  	_ =	sfence.sel $0xFFFF  }
0xbe: {  	[dreg:$0x0] =	wrdreg $0xFFFFFFFF;
	(pc) =	sbr.abs _section_cstart, $3  }
0xbf: {  	[dreg:$0x1] =	wrdreg $0xFFFFFFFF  }
0xc0: {  	_ =	task.clear_ibuf [dreg:s6], $0x2FFFF;
	_ =	strace $0x9FFFFFFF  }
0xc1: {  	(tm) =	ssettm $0x7FFFFFFF  }
tec
execute0_lowered:
.L_overlay_start_1:
0x0: {  	(tag) =	ssettag $0x1  }
0x1: {  	s5 =	rddreg [dreg:$0x0]  }
0x2: {  	s0 =	rddreg [dreg:$0x1];
	s1 =	simm.s32 $0x0;
	s6 =	srdreg.scid  }
0x3: {  	s2 =	stileid.u32;
	s10 =	simm.s32 $0x3;
	s11 =	simm.s32 $0x1000  }
0x4: {  	s12 =	simm.s32 $0x80;
	s13 =	simm.s32 $0x2000;
	s14 =	simm.s32 $0x6000  }
0x5: {  	s15 =	simm.s32 $0x1;
	s16 =	simm.s32 $0x2;
	s17 =	simm.s32 $0x0  }
0x6: {  	[smem:$0x7FF] =	sst s1;
	s3 =	sadd.s32 $0x29C00, s5;
	s4 =	sadd.s32 $0xA1DC00, s5  }
0x7: {  	s6 =	sand.u32 $0x1, s6;
	s7 =	sshll.u32 s2, $0xA;
	s9 =	smul.u32 $0x1A000, s2  }
0x8: {  	_ =	strace $0x80000047;
	s8 =	sshll.u32 s6, $0x9;
	s30 =	ssub.s32 $0x2, s6  }
0x9: {  	s6 =	smul.u32 $0xD000, s6;
	s7 =	sor.u32 s8, s7;
	s31 =	sshrl.u32 s30, $0x1  }
0xa: {  	s9 =	sadd.s32 s9, s5;
	s7 =	sadd.s32 s7, s5;
	s8 =	ssub.s32 s30, s31  }
0xb: {  	s9 =	sadd.s32 s6, s9;
	s5 =	sadd.s32 $0x21C00, s7;
	s6 =	sadd.s32 $0x25C00, s7  }
0xc: {  	s7 =	smax.u32 s8, $0x1;
	s8 =	sadd.s32 $0xA6D200, s9;
	s9 =	sadd.s32 $0xC0D200, s9  }
.LBB2_1:
0xd: {  	[tilespmem:s1], [sflag:$0x3] =	stream.linear.gather [hbm4b:s5+s1], $0xD00, $0x38;
	[tilespmem:$0xA000] =	vst v63  }
0xe: {  	_ =	swait.ge [sflag:s10], $0xD00  }
0xf: {  	[sflag:s10] =	ssyncset.done $0x0  }
0x10: {  	[sflag:s10] =	ssyncadd.s32 $0xFFFFF300  }
0x11: {  	[tilespmem:s11], [sflag:$0x3] =	stream.linear.gather [hbm4b:s6+s1], $0xD00, $0x38;
	[tilespmem:$0xA000] =	vst v63  }
0x12: {  	_ =	swait.ge [sflag:s10], $0xD00  }
0x13: {  	[sflag:s10] =	ssyncset.done $0x0  }
0x14: {  	s18 =	simm.s32 $0x0;
	[sflag:s10] =	ssyncadd.s32 $0xFFFFF300  }
0x15: {  	[tilespmem:s13], [sflag:$0x1] =	stream.indirect.gather [hbm4b:s3+s12], $0x80, s18, s12, $0xb8;
	[tilespmem:$0xA000] =	vst v63  }
0x16: {  	s31 =	simm.s32 $0x1000  }
0x17: {  	[tilespmem:s14], [sflag:$0x2] =	stream.indirect.gather [hbm4b:s4+s12], $0x80, s31, s12, $0xb8;
	[tilespmem:$0xA000] =	vst v63  }
0x18: {  	_ =	swait.ge [sflag:s15], $0x4000  }
0x19: {  	[sflag:s15] =	ssyncset.done $0x0  }
0x1a: {  	[sflag:s15] =	ssyncadd.s32 $0xFFFFC000  }
0x1b: {  	_ =	swait.ge [sflag:s16], $0x4000  }
0x1c: {  	[sflag:s16] =	ssyncset.done $0x0  }
0x1d: {  	[sflag:s16] =	ssyncadd.s32 $0xFFFFC000  }
0x1e: {  	[hbm4b:s8+s1] =	stream.linear.scatter [tilespmem:s13], [sflag:$0x3], $0x4000, $0x38;
	[tilespmem:$0xA000] =	vst v63  }
0x1f: {  	_ =	swait.ge [sflag:s10], $0x4000  }
0x20: {  	[sflag:s10] =	ssyncset.done $0x0  }
0x21: {  	[sflag:s10] =	ssyncadd.s32 $0xFFFFC000  }
0x22: {  	[hbm4b:s9+s1] =	stream.linear.scatter [tilespmem:s14], [sflag:$0x3], $0x4000, $0x38;
	[tilespmem:$0xA000] =	vst v63  }
0x23: {  	s20 =	simm.s32 $0x200;
	s21 =	simm.s32 $0x400;
	_ =	swait.ge [sflag:s10], $0x4000  }
0x24: {  	s19 =	sadd.s32 $0x800, s8;
	s18 =	sadd.s32 $0x800, s9;
	[sflag:s10] =	ssyncset.done $0x0  }
.LBB2_2:
0x25: {  	s22 =	sshra.s32 s20, $0x2  }
0x26: {  	[sflag:s10] =	ssyncadd.s32 $0xFFFFC000;
	s20 =	smov.u32 s21;
	s23 =	sadd.s32 $0x200, s21  }
0x27: {  	[tilespmem:s13], [sflag:$0x1] =	stream.indirect.gather [hbm4b:s3+s12], $0x80, s22, s12, $0xb8;
	[tilespmem:$0xA000] =	vst v63  }
0x28: {  	p0 =	sne.s32 s21, $0x3200;
	s21 =	sadd.s32 $0x1000, s22  }
0x29: {  	[tilespmem:s14], [sflag:$0x2] =	stream.indirect.gather [hbm4b:s4+s12], $0x80, s21, s12, $0xb8;
	[tilespmem:$0xA000] =	vst v63  }
0x2a: {  	_ =	swait.ge [sflag:s15], $0x4000  }
0x2b: {  	[sflag:s15] =	ssyncset.done $0x0  }
0x2c: {  	[sflag:s15] =	ssyncadd.s32 $0xFFFFC000  }
0x2d: {  	_ =	swait.ge [sflag:s16], $0x4000  }
0x2e: {  	[sflag:s16] =	ssyncset.done $0x0  }
0x2f: {  	[sflag:s16] =	ssyncadd.s32 $0xFFFFC000  }
0x30: {  	[hbm4b:s19+s1] =	stream.linear.scatter [tilespmem:s13], [sflag:$0x3], $0x4000, $0x38;
	[tilespmem:$0xA000] =	vst v63  }
0x31: {  	_ =	swait.ge [sflag:s10], $0x4000  }
.Ltmp0:
0x32: {  	[sflag:s10] =	ssyncset.done $0x0;
	(pc) =	sbr.rel @p0 .LBB2_2-.Ltmp0, $4  }
0x33: {  	[sflag:s10] =	ssyncadd.s32 $0xFFFFC000  }
0x34: {  	[hbm4b:s18+s1] =	stream.linear.scatter [tilespmem:s14], [sflag:$0x3], $0x4000, $0x38;
	[tilespmem:$0xA000] =	vst v63  }
0x35: {  	s21 =	smov.u32 s23;
	_ =	swait.ge [sflag:s10], $0x4000  }
0x36: {  	s19 =	sadd.s32 $0x800, s19;
	s18 =	sadd.s32 $0x800, s18;
	[sflag:s10] =	ssyncset.done $0x0  }
0x37: {  	s20 =	sshra.s32 s20, $0x2;
	[sflag:s10] =	ssyncadd.s32 $0xFFFFC000  }
0x38: {  	[tilespmem:s13], [sflag:$0x1] =	stream.indirect.gather [hbm4b:s3+s12], $0x80, s20, s12, $0xb8;
	[tilespmem:$0xA000] =	vst v63  }
0x39: {  	s20 =	sadd.s32 $0x1000, s20  }
0x3a: {  	[tilespmem:s14], [sflag:$0x2] =	stream.indirect.gather [hbm4b:s4+s12], $0x80, s20, s12, $0xb8;
	[tilespmem:$0xA000] =	vst v63  }
0x3b: {  	_ =	swait.ge [sflag:s15], $0x4000  }
0x3c: {  	[sflag:s15] =	ssyncset.done $0x0  }
0x3d: {  	[sflag:s15] =	ssyncadd.s32 $0xFFFFC000  }
0x3e: {  	_ =	swait.ge [sflag:s16], $0x4000  }
0x3f: {  	[sflag:s16] =	ssyncset.done $0x0  }
0x40: {  	[sflag:s16] =	ssyncadd.s32 $0xFFFFC000  }
0x41: {  	[hbm4b:s19+s1] =	stream.linear.scatter [tilespmem:s13], [sflag:$0x3], $0x4000, $0x38;
	[tilespmem:$0xA000] =	vst v63  }
0x42: {  	s17 =	sadd.s32 $0x1, s17;
	_ =	swait.ge [sflag:s10], $0x4000  }
0x43: {  	p0 =	sne.s32 s17, s7;
	[sflag:s10] =	ssyncset.done $0x0  }
.Ltmp1:
0x44: {  	[sflag:s10] =	ssyncadd.s32 $0xFFFFC000;
	(pc) =	sbr.rel @p0 .LBB2_1-.Ltmp1, $4  }
0x45: {  	[hbm4b:s18+s1] =	stream.linear.scatter [tilespmem:s14], [sflag:$0x3], $0x4000, $0x38;
	[tilespmem:$0xA000] =	vst v63  }
0x46: {  	_ =	swait.ge [sflag:s10], $0x4000  }
0x47: {  	[sflag:s10] =	ssyncset.done $0x0  }
0x48: {  	[sflag:s10] =	ssyncadd.s32 $0xFFFFC000  }
0x49: {  	_ =	sfence.sel $0x180000  }
0x4a: {  	[bflag:$0x0] =	sbarrier.arrive $0xFFFF  }
0x4b: {  	p0 =	sne.s32 s2, $0x0;
	_ =	strace $0x90000047  }
0x4c: {  	s0 =	sadd.s32 @!p0 $0x100000, s0;
	[bflag:$0x2] =	sbarrier.arrive $0xFFFF  }
0x4d: {  	[sflag:s0] =	ssyncadd.tile.s32 @!p0 $0x1;
	_ =	shalt  }
.Lfunc_end2:
_tile_overlayer_lowered:
.L_overlay_start_2:
0x4e: {  	(tag) =	ssettag $0x2  }
0x4f: {  	s0 =	rddreg [dreg:$0x0];
	s2 =	stileid.u32  }
0x50: {  	s1 =	rddreg [dreg:$0x1];
	p0 =	sne.s32 s2, $0x0  }
0x51: {  	s3 =	rddreg [dreg:$0x2];
	[bflag:$0x3] =	sbarrier.arrive $0xFFFF;
	s2 =	simm.s32 @!p0 $0x1C03  }
0x52: {  	[timem:s3], [sflag:s2] =	dma.local @!p0 [hbm:s0], s1  }
0x53: {  	s0 =	simm.s32 @!p0 $0x3  }
0x54: {  	_ =	swait.ge @!p0 [sflag:s0], s1  }
0x55: {  	s1 =	ssub.s32 @!p0 $0x0, s1;
	[sflag:s0] =	ssyncset.done @!p0 $0x0  }
0x56: {  	[sflag:s0] =	ssyncadd.s32 @!p0 s1  }
0x57: {  	[bflag:$0x3] =	sbarrier.arrive $0xFFFF  }
0x58: {  	_ =	shalt  }

</sc_bundles>
